<compile_context>
chip_gen: v7x
topology: tpu7x:2x2x1
jax: 0.10.2.dev20260603
libtpu: 0.0.44.dev20260713+nightly
codegen_flags: <defaults>
</compile_context>

<pallas_src>
import functools

import jax
import jax.numpy as jnp
from jax import lax
from jax.experimental import pallas as pl
from jax.experimental.pallas import tpu as pltpu
from jax.experimental.pallas import tpu_sc as plsc

N_NODES = 10000
D = 128
G = 128
NC = 2
NS = 16
NW = NC * NS
SUB = 104
NSUB = 3
RPW = SUB * NSUB
SC_ROWS = NW * RPW
TC_ROWS = N_NODES - SC_ROWS

_mesh = plsc.VectorSubcoreMesh(core_axis_name="c", subcore_axis_name="s")


@functools.partial(
    pl.kernel,
    mesh=_mesh,
    out_type=jax.ShapeDtypeStruct((NC, G, D), jnp.float32),
    scratch_types=[
        pltpu.VMEM((RPW, D), jnp.float32),
        pltpu.VMEM((NSUB, SUB), jnp.int32),
        pltpu.VMEM_SHARED((G, D), jnp.float32),
        pltpu.SemaphoreType.DMA,
        pltpu.SemaphoreType.DMA,
        pltpu.SemaphoreType.DMA,
        pltpu.SemaphoreType.DMA,
        pltpu.SemaphoreType.DMA,
        pltpu.SemaphoreType.DMA,
    ],
)
def _segment_sum_sc(x_hbm, batch_hbm, zeros_hbm, out_hbm, xbuf, idxbuf,
                    acc, sem_i, sem_x0, sem_x1, sem_x2, sem_s, sem_z):
    cid = lax.axis_index("c")
    sid = lax.axis_index("s")
    w = cid * NS + sid
    rpt = G // NS
    sems_x = (sem_x0, sem_x1, sem_x2)

    c_z = pltpu.async_copy(zeros_hbm.at[pl.ds(sid * rpt, rpt)],
                           acc.at[pl.ds(sid * rpt, rpt)], sem_z)

    base = w * RPW
    c_ids = [
        pltpu.async_copy(batch_hbm.at[pl.ds(base + j * SUB, SUB)],
                         idxbuf.at[j], sem_i)
        for j in range(NSUB)
    ]
    c_x = [
        pltpu.async_copy(x_hbm.at[pl.ds(base + j * SUB, SUB)],
                         xbuf.at[pl.ds(j * SUB, SUB)], sems_x[j])
        for j in range(NSUB)
    ]

    c_z.wait()
    plsc.subcore_barrier()

    for c in c_ids:
        c.wait()
    scats = []
    for j in range(NSUB):
        c_x[j].wait()
        scats.append(
            pltpu.async_copy(xbuf.at[pl.ds(j * SUB, SUB)],
                             acc.at[idxbuf.at[j]], sem_s, add=True))
    for c in scats:
        c.wait()
    plsc.subcore_barrier()

    pltpu.sync_copy(acc.at[pl.ds(sid * rpt, rpt)],
                    out_hbm.at[cid, pl.ds(sid * rpt, rpt)])


def _tc_pool_body(x_ref, ids_ref, out_ref):
    ids = ids_ref[...]
    gids = lax.broadcasted_iota(jnp.int32, (G, TC_ROWS), 0)
    onehot = (gids == ids).astype(jnp.float32)
    out_ref[...] = jnp.dot(onehot, x_ref[...],
                           precision=lax.Precision.HIGHEST,
                           preferred_element_type=jnp.float32)


def _mlp_body(parts_ref, part_tc_ref, w1_ref, b1_ref, w2_ref, b2_ref,
              out_ref):
    pooled = parts_ref[0] + parts_ref[1] + part_tc_ref[...]
    h = jnp.dot(pooled, w1_ref[...], preferred_element_type=jnp.float32)
    h = jnp.maximum(h + b1_ref[...], 0.0)
    out_t = lax.dot_general(w2_ref[...], h, (((0,), (1,)), ((), ())),
                            preferred_element_type=jnp.float32)
    out_ref[...] = out_t + b2_ref[...]


def kernel(x, edge_index, batch, W1, b1, W2, b2):
    del edge_index
    zeros = jnp.zeros((G, D), jnp.float32)
    parts = _segment_sum_sc(x, batch, zeros)
    part_tc = pl.pallas_call(
        _tc_pool_body,
        out_shape=jax.ShapeDtypeStruct((G, D), jnp.float32),
    )(x[SC_ROWS:], batch[SC_ROWS:].reshape(1, -1))
    out_t = pl.pallas_call(
        _mlp_body,
        out_shape=jax.ShapeDtypeStruct((W2.shape[1], G), jnp.float32),
    )(parts, part_tc, W1, b1.reshape(1, -1), W2, b2.reshape(-1, 1))
    return out_t.T

# --- scband reference (transcript-rebuilt; emitter-appended) ---
"""Pipeline reference for scband-mlpgraph-predictor-57930518888641 (READ-ONLY COPY).

The authoritative reference and input builder live on the scoring server;
editing this copy changes nothing except your own understanding.
"""

import jax, jax.numpy as jnp
import numpy as np

N_NODES = 10000
N_EDGES = 320000
D_FEAT = 128
HIDDEN = 256
D_TARGET = 10
N_GRAPHS = 128


def setup_inputs(seed: int = 0) -> dict:
    key = jax.random.key(seed)
    ks = jax.random.split(key, 8)
    x = jax.random.normal(ks[0], (N_NODES, D_FEAT), dtype=jnp.float32)
    edge_index = jax.random.randint(ks[1], (2, N_EDGES), 0, N_NODES, dtype=jnp.int32)
    batch = jnp.sort(jax.random.randint(ks[2], (N_NODES,), 0, N_GRAPHS, dtype=jnp.int32))
    W1 = jax.random.normal(ks[3], (D_FEAT, HIDDEN), dtype=jnp.float32) * 0.05
    b1 = jnp.zeros((HIDDEN,), dtype=jnp.float32)
    W2 = jax.random.normal(ks[4], (HIDDEN, D_TARGET), dtype=jnp.float32) * 0.05
    b2 = jnp.zeros((D_TARGET,), dtype=jnp.float32)
    return {"x": x, "edge_index": edge_index, "batch": batch, "W1": W1, "b1": b1, "W2": W2, "b2": b2}


def reference(x, edge_index, batch, W1, b1, W2, b2):
    # global_add_pool: sum node features per graph id
    pooled = jax.ops.segment_sum(x, batch, num_segments=N_GRAPHS)
    h = jax.nn.relu(pooled @ W1 + b1)
    out = h @ W2 + b2
    return out

if __name__ == "__main__":
    import jax
    _d = setup_inputs()
    print(jax.jit(kernel)(*tuple(_d.values())))

</pallas_src>

<mosaic_0001>
#map = affine_map<(d0, d1) -> (0, 0)>
#map1 = affine_map<(d0, d1) -> (0)>
#map2 = affine_map<(d0, d1) -> (0, 0, 0)>
module attributes {stable_mosaic.version = 14 : i64} {
  func.func @_segment_sum_sc(%arg0: i32, %arg1: i32, %arg2: memref<10000x128xf32, #tpu.memory_space<hbm>>, %arg3: memref<10000xi32, #tpu.memory_space<hbm>>, %arg4: memref<128x128xf32, #tpu.memory_space<hbm>>, %arg5: memref<2x128x128xf32, #tpu.memory_space<hbm>>, %arg6: memref<312x128xf32, #tpu.memory_space<vmem>>, %arg7: memref<3x104xi32, #tpu.memory_space<vmem>>, %arg8: memref<128x128xf32, #tpu.memory_space<vmem_shared>>, %arg9: memref<!tpu.dma_semaphore, #tpu.memory_space<semaphore_mem>>, %arg10: memref<!tpu.dma_semaphore, #tpu.memory_space<semaphore_mem>>, %arg11: memref<!tpu.dma_semaphore, #tpu.memory_space<semaphore_mem>>, %arg12: memref<!tpu.dma_semaphore, #tpu.memory_space<semaphore_mem>>, %arg13: memref<!tpu.dma_semaphore, #tpu.memory_space<semaphore_mem>>, %arg14: memref<!tpu.dma_semaphore, #tpu.memory_space<semaphore_mem>>) attributes {dimension_semantics = [#tpu.dimension_semantics<core_parallel>, #tpu.dimension_semantics<subcore_parallel>], iteration_bounds = array<i64: 2, 16>, scalar_prefetch = 0 : i64, scratch_operands = 9 : i64, tpu.core_type = #tpu.core_type<sc_vector_subcore>, window_params = [{transform_indices = #map}, {transform_indices = #map1}, {transform_indices = #map}, {transform_indices = #map2}]} {
    %mul3A = arith.constant 16 : i32
    %mul3A_0 = arith.muli %arg0, %mul3A : i32
    %add3A = arith.addi %mul3A_0, %arg1 : i32
    %mul3A_1 = arith.constant 8 : i32
    %mul3A_2 = arith.muli %arg1, %mul3A_1 : i32
    %mul3A_3 = arith.constant 8 : i32
    %mul3A_4 = arith.muli %arg1, %mul3A_3 : i32
    %dma_start3A = arith.constant 0 : i32
    %dma_start3A_5 = tpu.memref_slice %arg8[%mul3A_4, %dma_start3A] : memref<128x128xf32, #tpu.memory_space<vmem_shared>> -> memref<8x128xf32, #tpu.memory_space<vmem_shared>>
    %dma_start3A_6 = arith.constant 0 : i32
    %dma_start3A_7 = tpu.memref_slice %arg4[%mul3A_2, %dma_start3A_6] : memref<128x128xf32, #tpu.memory_space<hbm>> -> memref<8x128xf32, #tpu.memory_space<hbm>>
    tpu.enqueue_dma source(%dma_start3A_7 : memref<8x128xf32, #tpu.memory_space<hbm>>) target(%dma_start3A_5 : memref<8x128xf32, #tpu.memory_space<vmem_shared>>) target_semaphore(%arg14 : memref<!tpu.dma_semaphore, #tpu.memory_space<semaphore_mem>>)
    %mul3A_8 = arith.constant 312 : i32
    %mul3A_9 = arith.muli %add3A, %mul3A_8 : i32
    %add3A_10 = arith.constant 0 : i32
    %add3A_11 = arith.addi %mul3A_9, %add3A_10 : i32
    %dma_start3A_12 = arith.constant 0 : i32
    %dma_start3A_13 = arith.constant 0 : i32
    %dma_start3A_14 = tpu.memref_slice %arg7[%dma_start3A_12, %dma_start3A_13] : memref<3x104xi32, #tpu.memory_space<vmem>> -> memref<1x104xi32, #tpu.memory_space<vmem>>
    %dma_start3A_15 = tpu.memref_squeeze %dma_start3A_14 : memref<1x104xi32, #tpu.memory_space<vmem>> -> memref<104xi32, #tpu.memory_space<vmem>>
    %dma_start3A_16 = tpu.memref_slice %arg3[%add3A_11] : memref<10000xi32, #tpu.memory_space<hbm>> -> memref<104xi32, #tpu.memory_space<hbm>>
    %dma_start3A_17 = arith.constant 0 : i32
    %dma_start3A_18 = tpu.memref_slice %arg7[%dma_start3A_12, %dma_start3A_17] : memref<3x104xi32, #tpu.memory_space<vmem>> -> memref<1x104xi32, #tpu.memory_space<vmem>>
    %dma_start3A_19 = tpu.memref_squeeze %dma_start3A_18 : memref<1x104xi32, #tpu.memory_space<vmem>> -> memref<104xi32, #tpu.memory_space<vmem>>
    %dma_start3A_20 = tpu.memref_slice %arg3[%add3A_11] : memref<10000xi32, #tpu.memory_space<hbm>> -> memref<104xi32, #tpu.memory_space<hbm>>
    tpu.enqueue_dma source(%dma_start3A_20 : memref<104xi32, #tpu.memory_space<hbm>>) target(%dma_start3A_19 : memref<104xi32, #tpu.memory_space<vmem>>) target_semaphore(%arg9 : memref<!tpu.dma_semaphore, #tpu.memory_space<semaphore_mem>>)
    %add3A_21 = arith.constant 104 : i32
    %add3A_22 = arith.addi %mul3A_9, %add3A_21 : i32
    %dma_start3A_23 = arith.constant 1 : i32
    %dma_start3A_24 = arith.constant 0 : i32
    %dma_start3A_25 = tpu.memref_slice %arg7[%dma_start3A_23, %dma_start3A_24] : memref<3x104xi32, #tpu.memory_space<vmem>> -> memref<1x104xi32, #tpu.memory_space<vmem>>
    %dma_start3A_26 = tpu.memref_squeeze %dma_start3A_25 : memref<1x104xi32, #tpu.memory_space<vmem>> -> memref<104xi32, #tpu.memory_space<vmem>>
    %dma_start3A_27 = tpu.memref_slice %arg3[%add3A_22] : memref<10000xi32, #tpu.memory_space<hbm>> -> memref<104xi32, #tpu.memory_space<hbm>>
    %dma_start3A_28 = arith.constant 0 : i32
    %dma_start3A_29 = tpu.memref_slice %arg7[%dma_start3A_23, %dma_start3A_28] : memref<3x104xi32, #tpu.memory_space<vmem>> -> memref<1x104xi32, #tpu.memory_space<vmem>>
    %dma_start3A_30 = tpu.memref_squeeze %dma_start3A_29 : memref<1x104xi32, #tpu.memory_space<vmem>> -> memref<104xi32, #tpu.memory_space<vmem>>
    %dma_start3A_31 = tpu.memref_slice %arg3[%add3A_22] : memref<10000xi32, #tpu.memory_space<hbm>> -> memref<104xi32, #tpu.memory_space<hbm>>
    tpu.enqueue_dma source(%dma_start3A_31 : memref<104xi32, #tpu.memory_space<hbm>>) target(%dma_start3A_30 : memref<104xi32, #tpu.memory_space<vmem>>) target_semaphore(%arg9 : memref<!tpu.dma_semaphore, #tpu.memory_space<semaphore_mem>>)
    %add3A_32 = arith.constant 208 : i32
    %add3A_33 = arith.addi %mul3A_9, %add3A_32 : i32
    %dma_start3A_34 = arith.constant 2 : i32
    %dma_start3A_35 = arith.constant 0 : i32
    %dma_start3A_36 = tpu.memref_slice %arg7[%dma_start3A_34, %dma_start3A_35] : memref<3x104xi32, #tpu.memory_space<vmem>> -> memref<1x104xi32, #tpu.memory_space<vmem>>
    %dma_start3A_37 = tpu.memref_squeeze %dma_start3A_36 : memref<1x104xi32, #tpu.memory_space<vmem>> -> memref<104xi32, #tpu.memory_space<vmem>>
    %dma_start3A_38 = tpu.memref_slice %arg3[%add3A_33] : memref<10000xi32, #tpu.memory_space<hbm>> -> memref<104xi32, #tpu.memory_space<hbm>>
    %dma_start3A_39 = arith.constant 0 : i32
    %dma_start3A_40 = tpu.memref_slice %arg7[%dma_start3A_34, %dma_start3A_39] : memref<3x104xi32, #tpu.memory_space<vmem>> -> memref<1x104xi32, #tpu.memory_space<vmem>>
    %dma_start3A_41 = tpu.memref_squeeze %dma_start3A_40 : memref<1x104xi32, #tpu.memory_space<vmem>> -> memref<104xi32, #tpu.memory_space<vmem>>
    %dma_start3A_42 = tpu.memref_slice %arg3[%add3A_33] : memref<10000xi32, #tpu.memory_space<hbm>> -> memref<104xi32, #tpu.memory_space<hbm>>
    tpu.enqueue_dma source(%dma_start3A_42 : memref<104xi32, #tpu.memory_space<hbm>>) target(%dma_start3A_41 : memref<104xi32, #tpu.memory_space<vmem>>) target_semaphore(%arg9 : memref<!tpu.dma_semaphore, #tpu.memory_space<semaphore_mem>>)
    %add3A_43 = arith.constant 0 : i32
    %add3A_44 = arith.addi %mul3A_9, %add3A_43 : i32
    %dma_start3A_45 = arith.constant 0 : i32
    %dma_start3A_46 = arith.constant 0 : i32
    %dma_start3A_47 = tpu.memref_slice %arg6[%dma_start3A_45, %dma_start3A_46] : memref<312x128xf32, #tpu.memory_space<vmem>> -> memref<104x128xf32, #tpu.memory_space<vmem>>
    %dma_start3A_48 = arith.constant 0 : i32
    %dma_start3A_49 = tpu.memref_slice %arg2[%add3A_44, %dma_start3A_48] : memref<10000x128xf32, #tpu.memory_space<hbm>> -> memref<104x128xf32, #tpu.memory_space<hbm>>
    %dma_start3A_50 = arith.constant 0 : i32
    %dma_start3A_51 = arith.constant 0 : i32
    %dma_start3A_52 = tpu.memref_slice %arg6[%dma_start3A_50, %dma_start3A_51] : memref<312x128xf32, #tpu.memory_space<vmem>> -> memref<104x128xf32, #tpu.memory_space<vmem>>
    %dma_start3A_53 = arith.constant 0 : i32
    %dma_start3A_54 = tpu.memref_slice %arg2[%add3A_44, %dma_start3A_53] : memref<10000x128xf32, #tpu.memory_space<hbm>> -> memref<104x128xf32, #tpu.memory_space<hbm>>
    tpu.enqueue_dma source(%dma_start3A_54 : memref<104x128xf32, #tpu.memory_space<hbm>>) target(%dma_start3A_52 : memref<104x128xf32, #tpu.memory_space<vmem>>) target_semaphore(%arg10 : memref<!tpu.dma_semaphore, #tpu.memory_space<semaphore_mem>>)
    %add3A_55 = arith.constant 104 : i32
    %add3A_56 = arith.addi %mul3A_9, %add3A_55 : i32
    %dma_start3A_57 = arith.constant 104 : i32
    %dma_start3A_58 = arith.constant 0 : i32
    %dma_start3A_59 = tpu.memref_slice %arg6[%dma_start3A_57, %dma_start3A_58] : memref<312x128xf32, #tpu.memory_space<vmem>> -> memref<104x128xf32, #tpu.memory_space<vmem>>
    %dma_start3A_60 = arith.constant 0 : i32
    %dma_start3A_61 = tpu.memref_slice %arg2[%add3A_56, %dma_start3A_60] : memref<10000x128xf32, #tpu.memory_space<hbm>> -> memref<104x128xf32, #tpu.memory_space<hbm>>
    %dma_start3A_62 = arith.constant 104 : i32
    %dma_start3A_63 = arith.constant 0 : i32
    %dma_start3A_64 = tpu.memref_slice %arg6[%dma_start3A_62, %dma_start3A_63] : memref<312x128xf32, #tpu.memory_space<vmem>> -> memref<104x128xf32, #tpu.memory_space<vmem>>
    %dma_start3A_65 = arith.constant 0 : i32
    %dma_start3A_66 = tpu.memref_slice %arg2[%add3A_56, %dma_start3A_65] : memref<10000x128xf32, #tpu.memory_space<hbm>> -> memref<104x128xf32, #tpu.memory_space<hbm>>
    tpu.enqueue_dma source(%dma_start3A_66 : memref<104x128xf32, #tpu.memory_space<hbm>>) target(%dma_start3A_64 : memref<104x128xf32, #tpu.memory_space<vmem>>) target_semaphore(%arg11 : memref<!tpu.dma_semaphore, #tpu.memory_space<semaphore_mem>>)
    %add3A_67 = arith.constant 208 : i32
    %add3A_68 = arith.addi %mul3A_9, %add3A_67 : i32
    %dma_start3A_69 = arith.constant 208 : i32
    %dma_start3A_70 = arith.constant 0 : i32
    %dma_start3A_71 = tpu.memref_slice %arg6[%dma_start3A_69, %dma_start3A_70] : memref<312x128xf32, #tpu.memory_space<vmem>> -> memref<104x128xf32, #tpu.memory_space<vmem>>
    %dma_start3A_72 = arith.constant 0 : i32
    %dma_start3A_73 = tpu.memref_slice %arg2[%add3A_68, %dma_start3A_72] : memref<10000x128xf32, #tpu.memory_space<hbm>> -> memref<104x128xf32, #tpu.memory_space<hbm>>
    %dma_start3A_74 = arith.constant 208 : i32
    %dma_start3A_75 = arith.constant 0 : i32
    %dma_start3A_76 = tpu.memref_slice %arg6[%dma_start3A_74, %dma_start3A_75] : memref<312x128xf32, #tpu.memory_space<vmem>> -> memref<104x128xf32, #tpu.memory_space<vmem>>
    %dma_start3A_77 = arith.constant 0 : i32
    %dma_start3A_78 = tpu.memref_slice %arg2[%add3A_68, %dma_start3A_77] : memref<10000x128xf32, #tpu.memory_space<hbm>> -> memref<104x128xf32, #tpu.memory_space<hbm>>
    tpu.enqueue_dma source(%dma_start3A_78 : memref<104x128xf32, #tpu.memory_space<hbm>>) target(%dma_start3A_76 : memref<104x128xf32, #tpu.memory_space<vmem>>) target_semaphore(%arg12 : memref<!tpu.dma_semaphore, #tpu.memory_space<semaphore_mem>>)
    %dma_wait3A = arith.constant 0 : i32
    %dma_wait3A_79 = tpu.memref_slice %arg8[%mul3A_4, %dma_wait3A] : memref<128x128xf32, #tpu.memory_space<vmem_shared>> -> memref<8x128xf32, #tpu.memory_space<vmem_shared>>
    %dma_wait3A_80 = arith.constant 0 : i32
    %dma_wait3A_81 = tpu.memref_slice %arg4[%mul3A_2, %dma_wait3A_80] : memref<128x128xf32, #tpu.memory_space<hbm>> -> memref<8x128xf32, #tpu.memory_space<hbm>>
    tpu.wait_dma2 semaphore(%arg14 : memref<!tpu.dma_semaphore, #tpu.memory_space<semaphore_mem>>) src(%dma_wait3A_81 : memref<8x128xf32, #tpu.memory_space<hbm>>) dst(%dma_wait3A_79 : memref<8x128xf32, #tpu.memory_space<vmem_shared>>)
    %barrier3A = arith.constant 0 : index
    tpu.barrier barrier_id(%barrier3A)
    %dma_wait3A_82 = arith.constant 0 : i32
    %dma_wait3A_83 = arith.constant 0 : i32
    %dma_wait3A_84 = tpu.memref_slice %arg7[%dma_wait3A_82, %dma_wait3A_83] : memref<3x104xi32, #tpu.memory_space<vmem>> -> memref<1x104xi32, #tpu.memory_space<vmem>>
    %dma_wait3A_85 = tpu.memref_squeeze %dma_wait3A_84 : memref<1x104xi32, #tpu.memory_space<vmem>> -> memref<104xi32, #tpu.memory_space<vmem>>
    %dma_wait3A_86 = tpu.memref_slice %arg3[%add3A_11] : memref<10000xi32, #tpu.memory_space<hbm>> -> memref<104xi32, #tpu.memory_space<hbm>>
    %dma_wait3A_87 = arith.constant 0 : i32
    %dma_wait3A_88 = tpu.memref_slice %arg7[%dma_wait3A_82, %dma_wait3A_87] : memref<3x104xi32, #tpu.memory_space<vmem>> -> memref<1x104xi32, #tpu.memory_space<vmem>>
    %dma_wait3A_89 = tpu.memref_squeeze %dma_wait3A_88 : memref<1x104xi32, #tpu.memory_space<vmem>> -> memref<104xi32, #tpu.memory_space<vmem>>
    %dma_wait3A_90 = tpu.memref_slice %arg3[%add3A_11] : memref<10000xi32, #tpu.memory_space<hbm>> -> memref<104xi32, #tpu.memory_space<hbm>>
    tpu.wait_dma2 semaphore(%arg9 : memref<!tpu.dma_semaphore, #tpu.memory_space<semaphore_mem>>) src(%dma_wait3A_90 : memref<104xi32, #tpu.memory_space<hbm>>) dst(%dma_wait3A_89 : memref<104xi32, #tpu.memory_space<vmem>>)
    %dma_wait3A_91 = arith.constant 1 : i32
    %dma_wait3A_92 = arith.constant 0 : i32
    %dma_wait3A_93 = tpu.memref_slice %arg7[%dma_wait3A_91, %dma_wait3A_92] : memref<3x104xi32, #tpu.memory_space<vmem>> -> memref<1x104xi32, #tpu.memory_space<vmem>>
    %dma_wait3A_94 = tpu.memref_squeeze %dma_wait3A_93 : memref<1x104xi32, #tpu.memory_space<vmem>> -> memref<104xi32, #tpu.memory_space<vmem>>
    %dma_wait3A_95 = tpu.memref_slice %arg3[%add3A_22] : memref<10000xi32, #tpu.memory_space<hbm>> -> memref<104xi32, #tpu.memory_space<hbm>>
    %dma_wait3A_96 = arith.constant 0 : i32
    %dma_wait3A_97 = tpu.memref_slice %arg7[%dma_wait3A_91, %dma_wait3A_96] : memref<3x104xi32, #tpu.memory_space<vmem>> -> memref<1x104xi32, #tpu.memory_space<vmem>>
    %dma_wait3A_98 = tpu.memref_squeeze %dma_wait3A_97 : memref<1x104xi32, #tpu.memory_space<vmem>> -> memref<104xi32, #tpu.memory_space<vmem>>
    %dma_wait3A_99 = tpu.memref_slice %arg3[%add3A_22] : memref<10000xi32, #tpu.memory_space<hbm>> -> memref<104xi32, #tpu.memory_space<hbm>>
    tpu.wait_dma2 semaphore(%arg9 : memref<!tpu.dma_semaphore, #tpu.memory_space<semaphore_mem>>) src(%dma_wait3A_99 : memref<104xi32, #tpu.memory_space<hbm>>) dst(%dma_wait3A_98 : memref<104xi32, #tpu.memory_space<vmem>>)
    %dma_wait3A_100 = arith.constant 2 : i32
    %dma_wait3A_101 = arith.constant 0 : i32
    %dma_wait3A_102 = tpu.memref_slice %arg7[%dma_wait3A_100, %dma_wait3A_101] : memref<3x104xi32, #tpu.memory_space<vmem>> -> memref<1x104xi32, #tpu.memory_space<vmem>>
    %dma_wait3A_103 = tpu.memref_squeeze %dma_wait3A_102 : memref<1x104xi32, #tpu.memory_space<vmem>> -> memref<104xi32, #tpu.memory_space<vmem>>
    %dma_wait3A_104 = tpu.memref_slice %arg3[%add3A_33] : memref<10000xi32, #tpu.memory_space<hbm>> -> memref<104xi32, #tpu.memory_space<hbm>>
    %dma_wait3A_105 = arith.constant 0 : i32
    %dma_wait3A_106 = tpu.memref_slice %arg7[%dma_wait3A_100, %dma_wait3A_105] : memref<3x104xi32, #tpu.memory_space<vmem>> -> memref<1x104xi32, #tpu.memory_space<vmem>>
    %dma_wait3A_107 = tpu.memref_squeeze %dma_wait3A_106 : memref<1x104xi32, #tpu.memory_space<vmem>> -> memref<104xi32, #tpu.memory_space<vmem>>
    %dma_wait3A_108 = tpu.memref_slice %arg3[%add3A_33] : memref<10000xi32, #tpu.memory_space<hbm>> -> memref<104xi32, #tpu.memory_space<hbm>>
    tpu.wait_dma2 semaphore(%arg9 : memref<!tpu.dma_semaphore, #tpu.memory_space<semaphore_mem>>) src(%dma_wait3A_108 : memref<104xi32, #tpu.memory_space<hbm>>) dst(%dma_wait3A_107 : memref<104xi32, #tpu.memory_space<vmem>>)
    %dma_wait3A_109 = arith.constant 0 : i32
    %dma_wait3A_110 = arith.constant 0 : i32
    %dma_wait3A_111 = tpu.memref_slice %arg6[%dma_wait3A_109, %dma_wait3A_110] : memref<312x128xf32, #tpu.memory_space<vmem>> -> memref<104x128xf32, #tpu.memory_space<vmem>>
    %dma_wait3A_112 = arith.constant 0 : i32
    %dma_wait3A_113 = tpu.memref_slice %arg2[%add3A_44, %dma_wait3A_112] : memref<10000x128xf32, #tpu.memory_space<hbm>> -> memref<104x128xf32, #tpu.memory_space<hbm>>
    %dma_wait3A_114 = arith.constant 0 : i32
    %dma_wait3A_115 = arith.constant 0 : i32
    %dma_wait3A_116 = tpu.memref_slice %arg6[%dma_wait3A_114, %dma_wait3A_115] : memref<312x128xf32, #tpu.memory_space<vmem>> -> memref<104x128xf32, #tpu.memory_space<vmem>>
    %dma_wait3A_117 = arith.constant 0 : i32
    %dma_wait3A_118 = tpu.memref_slice %arg2[%add3A_44, %dma_wait3A_117] : memref<10000x128xf32, #tpu.memory_space<hbm>> -> memref<104x128xf32, #tpu.memory_space<hbm>>
    tpu.wait_dma2 semaphore(%arg10 : memref<!tpu.dma_semaphore, #tpu.memory_space<semaphore_mem>>) src(%dma_wait3A_118 : memref<104x128xf32, #tpu.memory_space<hbm>>) dst(%dma_wait3A_116 : memref<104x128xf32, #tpu.memory_space<vmem>>)
    %dma_start3A_119 = arith.constant 0 : i32
    %dma_start3A_120 = arith.constant 0 : i32
    %dma_start3A_121 = arith.constant 0 : i32
    %dma_start3A_122 = tpu.memref_slice %arg6[%dma_start3A_120, %dma_start3A_121] : memref<312x128xf32, #tpu.memory_space<vmem>> -> memref<104x128xf32, #tpu.memory_space<vmem>>
    %dma_start3A_123 = arith.constant 0 : i32
    %dma_start3A_124 = tpu.memref_slice %arg7[%dma_start3A_119, %dma_start3A_123] : memref<3x104xi32, #tpu.memory_space<vmem>> -> memref<1x104xi32, #tpu.memory_space<vmem>>
    %dma_start3A_125 = tpu.memref_squeeze %dma_start3A_124 : memref<1x104xi32, #tpu.memory_space<vmem>> -> memref<104xi32, #tpu.memory_space<vmem>>
    %dma_start3A_126 = arith.constant 0 : i32
    %dma_start3A_127 = arith.constant 0 : i32
    %dma_start3A_128 = tpu.memref_slice %arg8[%dma_start3A_126, %dma_start3A_127] : memref<128x128xf32, #tpu.memory_space<vmem_shared>> -> memref<128x128xf32, #tpu.memory_space<vmem_shared>>
    tpu.enqueue_indirect_dma source(%dma_start3A_122 : memref<104x128xf32, #tpu.memory_space<vmem>>) target(%dma_start3A_128 : memref<128x128xf32, #tpu.memory_space<vmem_shared>>) offsets(%dma_start3A_125 : memref<104xi32, #tpu.memory_space<vmem>>) semaphore(%arg13 : memref<!tpu.dma_semaphore, #tpu.memory_space<semaphore_mem>>) {add = true}
    %dma_wait3A_129 = arith.constant 104 : i32
    %dma_wait3A_130 = arith.constant 0 : i32
    %dma_wait3A_131 = tpu.memref_slice %arg6[%dma_wait3A_129, %dma_wait3A_130] : memref<312x128xf32, #tpu.memory_space<vmem>> -> memref<104x128xf32, #tpu.memory_space<vmem>>
    %dma_wait3A_132 = arith.constant 0 : i32
    %dma_wait3A_133 = tpu.memref_slice %arg2[%add3A_56, %dma_wait3A_132] : memref<10000x128xf32, #tpu.memory_space<hbm>> -> memref<104x128xf32, #tpu.memory_space<hbm>>
    %dma_wait3A_134 = arith.constant 104 : i32
    %dma_wait3A_135 = arith.constant 0 : i32
    %dma_wait3A_136 = tpu.memref_slice %arg6[%dma_wait3A_134, %dma_wait3A_135] : memref<312x128xf32, #tpu.memory_space<vmem>> -> memref<104x128xf32, #tpu.memory_space<vmem>>
    %dma_wait3A_137 = arith.constant 0 : i32
    %dma_wait3A_138 = tpu.memref_slice %arg2[%add3A_56, %dma_wait3A_137] : memref<10000x128xf32, #tpu.memory_space<hbm>> -> memref<104x128xf32, #tpu.memory_space<hbm>>
    tpu.wait_dma2 semaphore(%arg11 : memref<!tpu.dma_semaphore, #tpu.memory_space<semaphore_mem>>) src(%dma_wait3A_138 : memref<104x128xf32, #tpu.memory_space<hbm>>) dst(%dma_wait3A_136 : memref<104x128xf32, #tpu.memory_space<vmem>>)
    %dma_start3A_139 = arith.constant 1 : i32
    %dma_start3A_140 = arith.constant 104 : i32
    %dma_start3A_141 = arith.constant 0 : i32
    %dma_start3A_142 = tpu.memref_slice %arg6[%dma_start3A_140, %dma_start3A_141] : memref<312x128xf32, #tpu.memory_space<vmem>> -> memref<104x128xf32, #tpu.memory_space<vmem>>
    %dma_start3A_143 = arith.constant 0 : i32
    %dma_start3A_144 = tpu.memref_slice %arg7[%dma_start3A_139, %dma_start3A_143] : memref<3x104xi32, #tpu.memory_space<vmem>> -> memref<1x104xi32, #tpu.memory_space<vmem>>
    %dma_start3A_145 = tpu.memref_squeeze %dma_start3A_144 : memref<1x104xi32, #tpu.memory_space<vmem>> -> memref<104xi32, #tpu.memory_space<vmem>>
    %dma_start3A_146 = arith.constant 0 : i32
    %dma_start3A_147 = arith.constant 0 : i32
    %dma_start3A_148 = tpu.memref_slice %arg8[%dma_start3A_146, %dma_start3A_147] : memref<128x128xf32, #tpu.memory_space<vmem_shared>> -> memref<128x128xf32, #tpu.memory_space<vmem_shared>>
    tpu.enqueue_indirect_dma source(%dma_start3A_142 : memref<104x128xf32, #tpu.memory_space<vmem>>) target(%dma_start3A_148 : memref<128x128xf32, #tpu.memory_space<vmem_shared>>) offsets(%dma_start3A_145 : memref<104xi32, #tpu.memory_space<vmem>>) semaphore(%arg13 : memref<!tpu.dma_semaphore, #tpu.memory_space<semaphore_mem>>) {add = true}
    %dma_wait3A_149 = arith.constant 208 : i32
    %dma_wait3A_150 = arith.constant 0 : i32
    %dma_wait3A_151 = tpu.memref_slice %arg6[%dma_wait3A_149, %dma_wait3A_150] : memref<312x128xf32, #tpu.memory_space<vmem>> -> memref<104x128xf32, #tpu.memory_space<vmem>>
    %dma_wait3A_152 = arith.constant 0 : i32
    %dma_wait3A_153 = tpu.memref_slice %arg2[%add3A_68, %dma_wait3A_152] : memref<10000x128xf32, #tpu.memory_space<hbm>> -> memref<104x128xf32, #tpu.memory_space<hbm>>
    %dma_wait3A_154 = arith.constant 208 : i32
    %dma_wait3A_155 = arith.constant 0 : i32
    %dma_wait3A_156 = tpu.memref_slice %arg6[%dma_wait3A_154, %dma_wait3A_155] : memref<312x128xf32, #tpu.memory_space<vmem>> -> memref<104x128xf32, #tpu.memory_space<vmem>>
    %dma_wait3A_157 = arith.constant 0 : i32
    %dma_wait3A_158 = tpu.memref_slice %arg2[%add3A_68, %dma_wait3A_157] : memref<10000x128xf32, #tpu.memory_space<hbm>> -> memref<104x128xf32, #tpu.memory_space<hbm>>
    tpu.wait_dma2 semaphore(%arg12 : memref<!tpu.dma_semaphore, #tpu.memory_space<semaphore_mem>>) src(%dma_wait3A_158 : memref<104x128xf32, #tpu.memory_space<hbm>>) dst(%dma_wait3A_156 : memref<104x128xf32, #tpu.memory_space<vmem>>)
    %dma_start3A_159 = arith.constant 2 : i32
    %dma_start3A_160 = arith.constant 208 : i32
    %dma_start3A_161 = arith.constant 0 : i32
    %dma_start3A_162 = tpu.memref_slice %arg6[%dma_start3A_160, %dma_start3A_161] : memref<312x128xf32, #tpu.memory_space<vmem>> -> memref<104x128xf32, #tpu.memory_space<vmem>>
    %dma_start3A_163 = arith.constant 0 : i32
    %dma_start3A_164 = tpu.memref_slice %arg7[%dma_start3A_159, %dma_start3A_163] : memref<3x104xi32, #tpu.memory_space<vmem>> -> memref<1x104xi32, #tpu.memory_space<vmem>>
    %dma_start3A_165 = tpu.memref_squeeze %dma_start3A_164 : memref<1x104xi32, #tpu.memory_space<vmem>> -> memref<104xi32, #tpu.memory_space<vmem>>
    %dma_start3A_166 = arith.constant 0 : i32
    %dma_start3A_167 = arith.constant 0 : i32
    %dma_start3A_168 = tpu.memref_slice %arg8[%dma_start3A_166, %dma_start3A_167] : memref<128x128xf32, #tpu.memory_space<vmem_shared>> -> memref<128x128xf32, #tpu.memory_space<vmem_shared>>
    tpu.enqueue_indirect_dma source(%dma_start3A_162 : memref<104x128xf32, #tpu.memory_space<vmem>>) target(%dma_start3A_168 : memref<128x128xf32, #tpu.memory_space<vmem_shared>>) offsets(%dma_start3A_165 : memref<104xi32, #tpu.memory_space<vmem>>) semaphore(%arg13 : memref<!tpu.dma_semaphore, #tpu.memory_space<semaphore_mem>>) {add = true}
    %dma_wait3A_169 = arith.constant 0 : i32
    %dma_wait3A_170 = arith.constant 0 : i32
    %dma_wait3A_171 = arith.constant 0 : i32
    %dma_wait3A_172 = tpu.memref_slice %arg6[%dma_wait3A_170, %dma_wait3A_171] : memref<312x128xf32, #tpu.memory_space<vmem>> -> memref<104x128xf32, #tpu.memory_space<vmem>>
    %dma_wait3A_173 = arith.constant 0 : i32
    %dma_wait3A_174 = tpu.memref_slice %arg7[%dma_wait3A_169, %dma_wait3A_173] : memref<3x104xi32, #tpu.memory_space<vmem>> -> memref<1x104xi32, #tpu.memory_space<vmem>>
    %dma_wait3A_175 = tpu.memref_squeeze %dma_wait3A_174 : memref<1x104xi32, #tpu.memory_space<vmem>> -> memref<104xi32, #tpu.memory_space<vmem>>
    %dma_wait3A_176 = arith.constant 0 : i32
    %dma_wait3A_177 = arith.constant 0 : i32
    %dma_wait3A_178 = tpu.memref_slice %arg8[%dma_wait3A_176, %dma_wait3A_177] : memref<128x128xf32, #tpu.memory_space<vmem_shared>> -> memref<128x128xf32, #tpu.memory_space<vmem_shared>>
    tpu.wait_indirect_dma semaphore(%arg13 : memref<!tpu.dma_semaphore, #tpu.memory_space<semaphore_mem>>) src(%dma_wait3A_172 : memref<104x128xf32, #tpu.memory_space<vmem>>) dst(%dma_wait3A_178 : memref<128x128xf32, #tpu.memory_space<vmem_shared>>)
    %dma_wait3A_179 = arith.constant 1 : i32
    %dma_wait3A_180 = arith.constant 104 : i32
    %dma_wait3A_181 = arith.constant 0 : i32
    %dma_wait3A_182 = tpu.memref_slice %arg6[%dma_wait3A_180, %dma_wait3A_181] : memref<312x128xf32, #tpu.memory_space<vmem>> -> memref<104x128xf32, #tpu.memory_space<vmem>>
    %dma_wait3A_183 = arith.constant 0 : i32
    %dma_wait3A_184 = tpu.memref_slice %arg7[%dma_wait3A_179, %dma_wait3A_183] : memref<3x104xi32, #tpu.memory_space<vmem>> -> memref<1x104xi32, #tpu.memory_space<vmem>>
    %dma_wait3A_185 = tpu.memref_squeeze %dma_wait3A_184 : memref<1x104xi32, #tpu.memory_space<vmem>> -> memref<104xi32, #tpu.memory_space<vmem>>
    %dma_wait3A_186 = arith.constant 0 : i32
    %dma_wait3A_187 = arith.constant 0 : i32
    %dma_wait3A_188 = tpu.memref_slice %arg8[%dma_wait3A_186, %dma_wait3A_187] : memref<128x128xf32, #tpu.memory_space<vmem_shared>> -> memref<128x128xf32, #tpu.memory_space<vmem_shared>>
    tpu.wait_indirect_dma semaphore(%arg13 : memref<!tpu.dma_semaphore, #tpu.memory_space<semaphore_mem>>) src(%dma_wait3A_182 : memref<104x128xf32, #tpu.memory_space<vmem>>) dst(%dma_wait3A_188 : memref<128x128xf32, #tpu.memory_space<vmem_shared>>)
    %dma_wait3A_189 = arith.constant 2 : i32
    %dma_wait3A_190 = arith.constant 208 : i32
    %dma_wait3A_191 = arith.constant 0 : i32
    %dma_wait3A_192 = tpu.memref_slice %arg6[%dma_wait3A_190, %dma_wait3A_191] : memref<312x128xf32, #tpu.memory_space<vmem>> -> memref<104x128xf32, #tpu.memory_space<vmem>>
    %dma_wait3A_193 = arith.constant 0 : i32
    %dma_wait3A_194 = tpu.memref_slice %arg7[%dma_wait3A_189, %dma_wait3A_193] : memref<3x104xi32, #tpu.memory_space<vmem>> -> memref<1x104xi32, #tpu.memory_space<vmem>>
    %dma_wait3A_195 = tpu.memref_squeeze %dma_wait3A_194 : memref<1x104xi32, #tpu.memory_space<vmem>> -> memref<104xi32, #tpu.memory_space<vmem>>
    %dma_wait3A_196 = arith.constant 0 : i32
    %dma_wait3A_197 = arith.constant 0 : i32
    %dma_wait3A_198 = tpu.memref_slice %arg8[%dma_wait3A_196, %dma_wait3A_197] : memref<128x128xf32, #tpu.memory_space<vmem_shared>> -> memref<128x128xf32, #tpu.memory_space<vmem_shared>>
    tpu.wait_indirect_dma semaphore(%arg13 : memref<!tpu.dma_semaphore, #tpu.memory_space<semaphore_mem>>) src(%dma_wait3A_192 : memref<104x128xf32, #tpu.memory_space<vmem>>) dst(%dma_wait3A_198 : memref<128x128xf32, #tpu.memory_space<vmem_shared>>)
    %barrier3A_199 = arith.constant 0 : index
    tpu.barrier barrier_id(%barrier3A_199)
    %mul3A_200 = arith.constant 8 : i32
    %mul3A_201 = arith.muli %arg1, %mul3A_200 : i32
    %mul3A_202 = arith.constant 8 : i32
    %mul3A_203 = arith.muli %arg1, %mul3A_202 : i32
    "tpu.region"() ({
      %run_scoped3A = tpu.sem_alloc : memref<!tpu.dma_semaphore, #tpu.memory_space<semaphore_mem>>
      %dma_start3A_204 = arith.constant 0 : i32
      %dma_start3A_205 = tpu.memref_slice %arg5[%arg0, %mul3A_203, %dma_start3A_204] : memref<2x128x128xf32, #tpu.memory_space<hbm>> -> memref<1x8x128xf32, #tpu.memory_space<hbm>>
      %dma_start3A_206 = tpu.memref_squeeze %dma_start3A_205 : memref<1x8x128xf32, #tpu.memory_space<hbm>> -> memref<8x128xf32, #tpu.memory_space<hbm>>
      %dma_start3A_207 = arith.constant 0 : i32
      %dma_start3A_208 = tpu.memref_slice %arg8[%mul3A_201, %dma_start3A_207] : memref<128x128xf32, #tpu.memory_space<vmem_shared>> -> memref<8x128xf32, #tpu.memory_space<vmem_shared>>
      tpu.enqueue_dma source(%dma_start3A_208 : memref<8x128xf32, #tpu.memory_space<vmem_shared>>) target(%dma_start3A_206 : memref<8x128xf32, #tpu.memory_space<hbm>>) target_semaphore(%run_scoped3A : memref<!tpu.dma_semaphore, #tpu.memory_space<semaphore_mem>>)
      %dma_wait3A_209 = arith.constant 0 : i32
      %dma_wait3A_210 = tpu.memref_slice %arg5[%arg0, %mul3A_203, %dma_wait3A_209] : memref<2x128x128xf32, #tpu.memory_space<hbm>> -> memref<1x8x128xf32, #tpu.memory_space<hbm>>
      %dma_wait3A_211 = tpu.memref_squeeze %dma_wait3A_210 : memref<1x8x128xf32, #tpu.memory_space<hbm>> -> memref<8x128xf32, #tpu.memory_space<hbm>>
      %dma_wait3A_212 = arith.constant 0 : i32
      %dma_wait3A_213 = tpu.memref_slice %arg8[%mul3A_201, %dma_wait3A_212] : memref<128x128xf32, #tpu.memory_space<vmem_shared>> -> memref<8x128xf32, #tpu.memory_space<vmem_shared>>
      tpu.wait_dma2 semaphore(%run_scoped3A : memref<!tpu.dma_semaphore, #tpu.memory_space<semaphore_mem>>) src(%dma_wait3A_213 : memref<8x128xf32, #tpu.memory_space<vmem_shared>>) dst(%dma_wait3A_211 : memref<8x128xf32, #tpu.memory_space<hbm>>)
      tpu.yield
    }) : () -> ()
    return
  }
}

module attributes {stable_mosaic.version = 14 : i64} {
  func.func @_tc_pool_body(%arg0: memref<16x128xf32, #tpu.memory_space<vmem>>, %arg1: memref<1x16xi32, #tpu.memory_space<vmem>>, %arg2: memref<128x128xf32, #tpu.memory_space<vmem>>) attributes {dimension_semantics = [], scalar_prefetch = 0 : i64, scratch_operands = 0 : i64, tpu.core_type = #tpu.core_type<tc>} {
    %get3A = arith.constant 0 : index
    %get3A_0 = arith.constant 0 : index
    %get3A_1 = vector.load %arg1[%get3A, %get3A_0] : memref<1x16xi32, #tpu.memory_space<vmem>>, vector<1x16xi32>
    %iota3A = tpu.iota {dimensions = array<i32: 0>} : vector<128x16xi32>
    %eq3A = vector.broadcast %get3A_1 : vector<1x16xi32> to vector<128x16xi32>
    %eq3A_2 = arith.cmpi eq, %iota3A, %eq3A : vector<128x16xi32>
    %convert_element_type3A = arith.extui %eq3A_2 : vector<128x16xi1> to vector<128x16xi32>
    %convert_element_type3A_3 = arith.sitofp %convert_element_type3A : vector<128x16xi32> to vector<128x16xf32>
    %get3A_4 = arith.constant 0 : index
    %get3A_5 = arith.constant 0 : index
    %get3A_6 = vector.load %arg0[%get3A_4, %get3A_5] : memref<16x128xf32, #tpu.memory_space<vmem>>, vector<16x128xf32>
    %dot_general3A = arith.constant dense<0.000000e+00> : vector<128x128xf32>
    %dot_general3A_7 = tpu.matmul %convert_element_type3A_3, %get3A_6, %dot_general3A {dimension_numbers = #tpu.dot_dimension_numbers<[1], [0], [0], [1], [0, 0, 1, 1], [], []>, precision = #tpu.contract_precision<fp32>, transpose_lhs_hint = false} : vector<128x16xf32>, vector<16x128xf32>, vector<128x128xf32> -> vector<128x128xf32>
    %swap3A = arith.constant 0 : index
    %swap3A_8 = arith.constant 0 : index
    %swap3A_9 = vector.load %arg2[%swap3A, %swap3A_8] : memref<128x128xf32, #tpu.memory_space<vmem>>, vector<128x128xf32>
    tpu.vector_store %arg2[%swap3A, %swap3A_8], %dot_general3A_7 {strides = array<i32>} : memref<128x128xf32, #tpu.memory_space<vmem>>, vector<128x128xf32>,
    return
  }
}

module attributes {stable_mosaic.version = 14 : i64} {
  func.func @_mlp_body(%arg0: memref<2x128x128xf32, #tpu.memory_space<vmem>>, %arg1: memref<128x128xf32, #tpu.memory_space<vmem>>, %arg2: memref<128x256xf32, #tpu.memory_space<vmem>>, %arg3: memref<1x256xf32, #tpu.memory_space<vmem>>, %arg4: memref<256x10xf32, #tpu.memory_space<vmem>>, %arg5: memref<10x1xf32, #tpu.memory_space<vmem>>, %arg6: memref<10x128xf32, #tpu.memory_space<vmem>>) attributes {dimension_semantics = [], scalar_prefetch = 0 : i64, scratch_operands = 0 : i64, tpu.core_type = #tpu.core_type<tc>} {
    %get3A = arith.constant 0 : index
    %get3A_0 = arith.constant 0 : index
    %get3A_1 = arith.constant 0 : index
    %get3A_2 = vector.load %arg0[%get3A, %get3A_0, %get3A_1] : memref<2x128x128xf32, #tpu.memory_space<vmem>>, vector<1x128x128xf32>
    %get3A_3 = vector.shape_cast %get3A_2 : vector<1x128x128xf32> to vector<128x128xf32>
    %get3A_4 = arith.constant 1 : index
    %get3A_5 = arith.constant 0 : index
    %get3A_6 = arith.constant 0 : index
    %get3A_7 = vector.load %arg0[%get3A_4, %get3A_5, %get3A_6] : memref<2x128x128xf32, #tpu.memory_space<vmem>>, vector<1x128x128xf32>
    %get3A_8 = vector.shape_cast %get3A_7 : vector<1x128x128xf32> to vector<128x128xf32>
    %add3A = arith.addf %get3A_3, %get3A_8 : vector<128x128xf32>
    %get3A_9 = arith.constant 0 : index
    %get3A_10 = arith.constant 0 : index
    %get3A_11 = vector.load %arg1[%get3A_9, %get3A_10] : memref<128x128xf32, #tpu.memory_space<vmem>>, vector<128x128xf32>
    %add3A_12 = arith.addf %add3A, %get3A_11 : vector<128x128xf32>
    %get3A_13 = arith.constant 0 : index
    %get3A_14 = arith.constant 0 : index
    %get3A_15 = vector.load %arg2[%get3A_13, %get3A_14] : memref<128x256xf32, #tpu.memory_space<vmem>>, vector<128x256xf32>
    %dot_general3A = arith.constant dense<0.000000e+00> : vector<128x256xf32>
    %dot_general3A_16 = tpu.matmul %add3A_12, %get3A_15, %dot_general3A {dimension_numbers = #tpu.dot_dimension_numbers<[1], [0], [0], [1], [0, 0, 1, 1], [], []>, transpose_lhs_hint = false} : vector<128x128xf32>, vector<128x256xf32>, vector<128x256xf32> -> vector<128x256xf32>
    %get3A_17 = arith.constant 0 : index
    %get3A_18 = arith.constant 0 : index
    %get3A_19 = vector.load %arg3[%get3A_17, %get3A_18] : memref<1x256xf32, #tpu.memory_space<vmem>>, vector<1x256xf32>
    %add3A_20 = vector.broadcast %get3A_19 : vector<1x256xf32> to vector<128x256xf32>
    %add3A_21 = arith.addf %dot_general3A_16, %add3A_20 : vector<128x256xf32>
    %max3A = arith.constant 0.000000e+00 : f32
    %max3A_22 = vector.broadcast %max3A : f32 to vector<128x256xf32>
    %max3A_23 = arith.maximumf %add3A_21, %max3A_22 : vector<128x256xf32>
    %get3A_24 = arith.constant 0 : index
    %get3A_25 = arith.constant 0 : index
    %get3A_26 = vector.load %arg4[%get3A_24, %get3A_25] : memref<256x10xf32, #tpu.memory_space<vmem>>, vector<256x10xf32>
    %dot_general3A_27 = arith.constant dense<0.000000e+00> : vector<10x128xf32>
    %dot_general3A_28 = tpu.matmul %get3A_26, %max3A_23, %dot_general3A_27 {dimension_numbers = #tpu.dot_dimension_numbers<[0], [1], [1], [0], [0, 1, 1, 0], [], []>, transpose_lhs_hint = false} : vector<256x10xf32>, vector<128x256xf32>, vector<10x128xf32> -> vector<10x128xf32>
    %get3A_29 = arith.constant 0 : index
    %get3A_30 = arith.constant 0 : index
    %get3A_31 = vector.load %arg5[%get3A_29, %get3A_30] : memref<10x1xf32, #tpu.memory_space<vmem>>, vector<10x1xf32>
    %add3A_32 = vector.broadcast %get3A_31 : vector<10x1xf32> to vector<10x128xf32>
    %add3A_33 = arith.addf %dot_general3A_28, %add3A_32 : vector<10x128xf32>
    %swap3A = arith.constant 0 : index
    %swap3A_34 = arith.constant 0 : index
    %swap3A_35 = vector.load %arg6[%swap3A, %swap3A_34] : memref<10x128xf32, #tpu.memory_space<vmem>>, vector<10x128xf32>
    tpu.vector_store %arg6[%swap3A, %swap3A_34], %add3A_33 {strides = array<i32>} : memref<10x128xf32, #tpu.memory_space<vmem>>, vector<10x128xf32>,
    return
  }
}

</mosaic_0001>

<sc_bundles>
// kernel: kernel.5.cloned.1.call-start
scs
__scs_entry_jumppad:
0x0: {  	(pc) =	sbr.rel $0x88, $3  }
0x1: {  	(tag) =	ssettag $0x0;
	lr =	simm.s32 $0x1  }
0x2: {  	[smem:$0x3F9B] =	sst lr;
	_ =	strace $0xD0000000  }
0x3: {  	_ = 	snop  }
0x4: {  	_ = 	snop  }
0x5: {  	_ = 	snop  }
0x6: {  	_ = 	snop  }
0x7: {  	_ = 	snop  }
__scs_overlays_trampoline_lowered:
0x8: {  	[smem:$0x3FAA] =	sst s0  }
0x9: {  	[smem:$0x3FAB] =	sst s1  }
0xa: {  	[smem:$0x3FAC] =	sst s2  }
0xb: {  	[smem:$0x3FAD] =	sst s3  }
0xc: {  	[smem:$0x3FAE] =	sst s4  }
0xd: {  	[smem:$0x3FAF] =	sst s5  }
0xe: {  	[smem:$0x3FB0] =	sst s6  }
0xf: {  	[smem:$0x3FB1] =	sst s7  }
0x10: {  	[smem:$0x3FB2] =	sst s8  }
0x11: {  	[smem:$0x3FB3] =	sst s9;
	s0 =	simm.s32 @!p0 $0x0  }
0x12: {  	s1 =	sld [smem:$0x3F99];
	s0 =	simm.s32 @p0 $0x1  }
0x13: {  	[smem:$0x3FB4] =	sst s0;
	s0 =	simm.s32 @!p1 $0x0  }
0x14: {  	s2 =	sld [smem:$0x3F98];
	s0 =	simm.s32 @p1 $0x1  }
0x15: {  	[smem:$0x3FB5] =	sst s0;
	s0 =	simm.s32 @!p2 $0x0  }
0x16: {  	s3 =	sld [smem:$0x3FDB];
	s0 =	simm.s32 @p2 $0x1  }
0x17: {  	s4 =	simm.s32 $0x1BF5;
	[smem:$0x3FB7] =	sst s0  }
0x18: {  	s0 =	sld [smem:$0x3F9A];
	_ =	swait.ge [sflag:s4], $0x0  }
0x19: {  	s7 =	sld [smem:$0x3F9B]  }
0x1a: {  	s8 =	sadd.s32 $0xFFFFE003, lr  }
0x1b: {  	s9 =	sadd.s32 $0xFFFFFEF7, lr;
	s5 =	simm.s32 $0xFFFFFFFF;
	p2 =	slt.u32 s8, $0xFFFFF086  }
0x1c: {  	p1 =	slt.u32 s9, $0xF7A;
	s5 =	simm.s32 @!p2 $0x0  }
0x1d: {  	s5 =	simm.s32 @p1 $0x1;
	p0 =	seq.s32 s7, s2  }
0x1e: {  	s7 =	smul.u32 @!p0 $0xF7A, s2;
	p2 =	seq.s32 @!p0 s5, $0x0  }
0x1f: {  	s9 =	smul.u32 $0xF7A, s1;
	s8 =	simm.s32 @!p0 $0x1BF5;
	p2 =	por !p2, p0  }
0x20: {  	[sflag:s8] =	ssyncset.s32 @!p0 $0xFFFFF086;
	s6 =	sadd.s32 @!p0 s3, s7;
	s7 =	simm.s32 @!p0 $0x108  }
0x21: {  	s3 =	sadd.s32 s3, s9;
	s6 =	sadd.s32 @!p0 $0x88, s6;
	s7 =	simm.s32 @p2 $0x1082  }
0x22: {  	[simem:s7], [sflag:s8] =	dma.local @!p0 [hbm:s6], $0xF7A  }
0x23: {  	s9 =	sor.u32 $0xD0000000, s2;
	s6 =	simm.s32 $0x108;
	_ =	swait.ge @!p0 [sflag:s8], $0x0  }
0x24: {  	s3 =	sadd.s32 $0x88, s3;
	s6 =	simm.s32 @!p1 $0x1082;
	[sflag:s4] =	ssyncset.s32 $0xFFFFF086  }
0x25: {  	[simem:s6], [sflag:s4] =	dma.local [hbm:s3], $0xF7A  }
0x26: {  	[smem:$0x3F9B] =	sst s1;
	(tag) =	ssettag s2;
	_ =	strace s9  }
0x27: {  	s1 =	sld [smem:$0x3FAB]  }
0x28: {  	s2 =	sld [smem:$0x3FAC]  }
0x29: {  	s4 =	sld [smem:$0x3FAE]  }
0x2a: {  	p0 =	seq.s32 s5, $0x0;
	s5 =	sld [smem:$0x3FAF]  }
0x2b: {  	s6 =	sld [smem:$0x3FB0]  }
0x2c: {  	s7 =	sld [smem:$0x3FB1]  }
0x2d: {  	s3 =	simm.s32 $0x108;
	s8 =	sld [smem:$0x3FB2]  }
0x2e: {  	s3 =	simm.s32 @!p0 $0x1082;
	s9 =	sld [smem:$0x3FB3]  }
0x2f: {  	lr =	sadd.s32 s0, s3;
	s0 =	sld [smem:$0x3FAA]  }
0x30: {  	s3 =	sld [smem:$0x3FAD]  }
0x31: {  	[smem:$0x3FB6] =	sst s10  }
0x32: {  	s10 =	sld [smem:$0x3FB4];
	_ =	sdelay $0x3  }
0x33: {  	p0 =	seq.s32 s10, $0x1;
	s10 =	sld [smem:$0x3FB6];
	_ =	sdelay $0x3  }
0x34: {  	[smem:$0x3FB6] =	sst s10  }
0x35: {  	s10 =	sld [smem:$0x3FB5];
	_ =	sdelay $0x3  }
0x36: {  	p1 =	seq.s32 s10, $0x1;
	s10 =	sld [smem:$0x3FB6];
	_ =	sdelay $0x3  }
0x37: {  	[smem:$0x3FB6] =	sst s10  }
0x38: {  	s10 =	sld [smem:$0x3FB7]  }
0x39: {  	_ = 	snop;
	(pc) =	sbr.ind lr, $3  }
0x3a: {  	_ = 	snop  }
0x3b: {  	_ = 	snop  }
0x3c: {  	p2 =	seq.s32 s10, $0x1;
	s10 =	sld [smem:$0x3FB6]  }
0x3d: {  	_ =	shalt  }
0x3e: {  	_ =	shalt  }
0x3f: {  	_ =	shalt  }
0x40: {  	_ =	shalt  }
0x41: {  	_ =	shalt  }
0x42: {  	_ =	shalt  }
0x43: {  	_ =	shalt  }
0x44: {  	_ =	shalt  }
0x45: {  	_ =	shalt  }
0x46: {  	_ =	shalt  }
0x47: {  	_ =	shalt  }
0x48: {  	_ =	shalt  }
0x49: {  	_ =	shalt  }
0x4a: {  	_ =	shalt  }
0x4b: {  	_ =	shalt  }
0x4c: {  	_ =	shalt  }
0x4d: {  	_ =	shalt  }
0x4e: {  	_ =	shalt  }
0x4f: {  	_ =	shalt  }
0x50: {  	_ =	shalt  }
0x51: {  	_ =	shalt  }
0x52: {  	_ =	shalt  }
0x53: {  	_ =	shalt  }
0x54: {  	_ =	shalt  }
0x55: {  	_ =	shalt  }
0x56: {  	_ =	shalt  }
0x57: {  	_ =	shalt  }
0x58: {  	_ =	shalt  }
0x59: {  	_ =	shalt  }
0x5a: {  	_ =	shalt  }
0x5b: {  	_ =	shalt  }
0x5c: {  	_ =	shalt  }
0x5d: {  	_ =	shalt  }
0x5e: {  	_ =	shalt  }
0x5f: {  	_ =	shalt  }
0x60: {  	_ =	shalt  }
0x61: {  	_ =	shalt  }
0x62: {  	_ =	shalt  }
0x63: {  	_ =	shalt  }
0x64: {  	_ =	shalt  }
0x65: {  	_ =	shalt  }
0x66: {  	_ =	shalt  }
0x67: {  	_ =	shalt  }
0x68: {  	_ =	shalt  }
0x69: {  	_ =	shalt  }
0x6a: {  	_ =	shalt  }
0x6b: {  	_ =	shalt  }
0x6c: {  	_ =	shalt  }
0x6d: {  	_ =	shalt  }
0x6e: {  	_ =	shalt  }
0x6f: {  	_ =	shalt  }
0x70: {  	_ =	shalt  }
0x71: {  	_ =	shalt  }
0x72: {  	_ =	shalt  }
0x73: {  	_ =	shalt  }
0x74: {  	_ =	shalt  }
0x75: {  	_ =	shalt  }
0x76: {  	_ =	shalt  }
0x77: {  	_ =	shalt  }
0x78: {  	_ =	shalt  }
0x79: {  	_ =	shalt  }
0x7a: {  	_ =	shalt  }
0x7b: {  	_ =	shalt  }
0x7c: {  	_ =	shalt  }
0x7d: {  	_ =	shalt  }
0x7e: {  	_ =	shalt  }
0x7f: {  	_ =	shalt  }
0x80: {  	_ =	shalt  }
0x81: {  	_ =	shalt  }
0x82: {  	_ =	shalt  }
0x83: {  	_ =	shalt  }
0x84: {  	_ =	shalt  }
0x85: {  	_ =	shalt  }
0x86: {  	_ =	shalt  }
0x87: {  	_ =	shalt  }
.Lfunc_end0:
.L_simem_size_0:
called_computation_lowered:
.L_overlay_start_0:
0x88: {  	s2 =	sld [smem:$0x3FD9]  }
0x89: {  	s3 =	sld [smem:$0x3FFE];
	_ =	sdelay $0x1  }
0x8a: {  	s1 =	srdreg.scid  }
0x8b: {  	s0 =	sand.u32 $0x1, s1  }
0x8c: {  	s17 =	sshll.u32 s0, $0xA;
	s2 =	sadd.s32 s3, s2  }
0x8d: {  	s2 =	sadd.s32 s2, s17  }
0x8e: {  	[smem:$0x3FC2] =	sst s2  }
0x8f: {  	_ = 	snop  }
0x90: {  	s2 =	sld [smem:$0x3FC9]  }
0x91: {  	s18 =	sld [smem:$0x3FC8];
	(tm) =	ssettm $0x1  }
0x92: {  	s4 =	sld [smem:$0x3FFB];
	_ =	sdelay $0x3  }
0x93: {  	_ =	strace s4  }
0x94: {  	s4 =	sld [smem:$0x3FFC];
	_ =	sdelay $0x3  }
0x95: {  	_ =	strace s4  }
0x96: {  	s4 =	sld [smem:$0x3FFD];
	_ =	sdelay $0x3  }
0x97: {  	_ =	strace s4  }
0x98: {  	_ =	strace $0x8FFFFFFF  }
0x99: {  	s19 =	sld [smem:$0x3FDB];
	_ =	sdelay $0x1  }
0x9a: {  	s5 =	simm.s32 $_scs_section_size  }
0x9b: {  	s6 =	simm.s32 $_size__tile_overlayer_lowered;
	s7 =	simm.s32 $_tile_overlayer_lowered  }
0x9c: {  	s22 =	simm.s32 $0x1BFF;
	s21 =	sshll.u32 s7, $0x1;
	s4 =	sadd.s32 s5, s19  }
0x9d: {  	s8 =	simm.s32 $0x0;
	s20 =	sshll.u32 s6, $0x1;
	s6 =	sadd.s32 s21, s4  }
0x9e: {  	[timem:s8], [sflag:s22] =	dma.local [hbm:s6], s20  }
0x9f: {  	_ =	swait.ge [sflag:s22], s20  }
0xa0: {  	s5 =	ssub.s32 $0x0, s20;
	[sflag:s22] =	ssyncset.done $0x0  }
0xa1: {  	[sflag:s22] =	ssyncadd.s32 s5;
	_ =	sdelay $0x1  }
0xa2: {  	s23 =	simm.s32 $0x1B8B  }
0xa3: {  	_ =	swait.ge [sflag:s23], $0x1  }
0xa4: {  	[sflag:s23] =	ssyncset.done $0x0  }
0xa5: {  	s25 =	simm.s32 $0x1B8E;
	s24 =	sld [smem:$0x3FFE];
	[sflag:s23] =	ssyncadd.s32 $0xFFFFFFFF  }
0xa6: {  	s26 =	simm.s32 $execute0_lowered;
	[smem:$0x3FD2] =	sst s25  }
0xa7: {  	s6 =	sshll.u32 s26, $0x1;
	_ =	strace $0x80000046;
	[dreg:$0x1] =	wrdreg $0xFFFFFFFF  }
0xa8: {  	s28 =	simm.s32 $_size_execute0_lowered;
	s4 =	sadd.s32 s4, s6;
	[dreg:$0x0] =	wrdreg $0x0  }
0xa9: {  	s6 =	sshll.u32 s28, $0x1;
	[dreg:$0x2] =	wrdreg s4  }
0xaa: {  	[dreg:$0x3] =	wrdreg s6  }
0xab: {  	[dreg:$0x4] =	wrdreg $0xC0  }
0xac: {  	_ =	task [dreg:s8], $0x5FFFF  }
0xad: {  	[dreg:$0x1] =	wrdreg $0xFFFFFFFF  }
0xae: {  	[dreg:$0x0] =	wrdreg $0x60  }
0xaf: {  	[dreg:$0x2] =	wrdreg s2  }
0xb0: {  	[dreg:$0x3] =	wrdreg s18  }
0xb1: {  	[dreg:$0x4] =	wrdreg s24  }
0xb2: {  	[dreg:$0x5] =	wrdreg $0x9E000  }
0xb3: {  	[dreg:$0x6] =	wrdreg $0x9  }
0xb4: {  	_ =	task.clear_ibuf [dreg:s8], $0x7FFFF;
	_ =	strace $0x90000046  }
0xb5: {  	s29 =	simm.s32 $0x9;
	_ =	strace $0x80000048  }
0xb6: {  	_ =	swait.ge [sflag:s29], $0x1  }
0xb7: {  	[sflag:s29] =	ssyncadd.s32 $0xFFFFFFFF  }
0xb8: {  	_ =	strace $0x90000048  }
0xb9: {  	_ =	sfence  }
0xba: {  	s30 =	sld [smem:$0x0];
	_ =	sdelay $0x2  }
0xbb: {  	s31 =	sshll.u32 s1, $0xD;
	s1 =	sshrl.u32 s1, $0x2  }
0xbc: {  	s3 =	sand.u32 $0x4000, s31;
	s1 =	sadd.s32 s1, s30  }
0xbd: {  	s0 =	sor.u32 s3, s0;
	s1 =	sshll.u32 s1, $0x11  }
0xbe: {  	s0 =	sor.u32 s1, s0  }
0xbf: {  	s0 =	sadd.s32 $0x8F2B, s0  }
0xc0: {  	[sflag:s0] =	ssyncadd.remote.s32 $0x1  }
0xc1: {  	_ =	sfence.sel $0xFFFF  }
0xc2: {  	[dreg:$0x0] =	wrdreg $0xFFFFFFFF;
	(pc) =	sbr.abs _section_cstart, $3  }
0xc3: {  	[dreg:$0x1] =	wrdreg $0xFFFFFFFF  }
0xc4: {  	_ =	task.clear_ibuf [dreg:s8], $0x2FFFF;
	_ =	strace $0x9FFFFFFF  }
0xc5: {  	(tm) =	ssettm $0x7FFFFFFF  }
tec
execute0_lowered:
.L_overlay_start_1:
0x0: {  	(tag) =	ssettag $0x1  }
0x1: {  	s16 =	rddreg [dreg:$0x0]  }
0x2: {  	s11 =	rddreg [dreg:$0x1]  }
0x3: {  	s4 =	rddreg [dreg:$0x2]  }
0x4: {  	s2 =	rddreg [dreg:$0x3];
	s1 =	srdreg.scid  }
0x5: {  	s0 =	rddreg [dreg:$0x4];
	s25 =	sand.u32 $0x1, s1  }
0x6: {  	s3 =	simm.s32 $0x0;
	s1 =	stileid.u32;
	s5 =	sshll.u32 s25, $0x4  }
0x7: {  	[smem:$0x7FF] =	sst s3;
	s6 =	sshll.u32 s1, $0x7;
	s12 =	sor.u32 s1, s5  }
0x8: {  	s24 =	sshll.u32 s1, $0xA;
	_ =	strace $0x80000047;
	s7 =	smul.u32 $0x138, s12  }
0x9: {  	s28 =	sshll.u32 s1, $0x6;
	s26 =	sadd.s32 s6, s4;
	s8 =	sadd.s32 s24, s2  }
0xa: {  	s5 =	sor.u32 $0x1C06, s28;
	s4 =	sadd.s32 $0xE00, s26;
	s30 =	sshrl.u32 s7, $0x3  }
0xb: {  	s14 =	sadd.s32 $0x68, s7;
	s15 =	sadd.s32 $0xD0, s7;
	s7 =	sshrl.u32 s8, $0x3  }
0xc: {  	s8 =	simm.s32 $0x9C00;
	s6 =	sadd.s32 s11, s30;
	s9 =	sshrl.u32 s14, $0x3  }
0xd: {  	[spmem:s7], [sflag:s5] =	dma.local [hbm:s4], $0x80  }
0xe: {  	[tilespmem:s8], [sflag:$0x1] =	stream.linear.gather [hbm4b:s6+s3], $0x68, $0x38;
	[tilespmem:$0xA200] =	vst v63  }
0xf: {  	s10 =	simm.s32 $0x9C80;
	s13 =	sshrl.u32 s15, $0x3;
	s9 =	sadd.s32 s11, s9  }
0x10: {  	[tilespmem:s10], [sflag:$0x1] =	stream.linear.gather [hbm4b:s9+s3], $0x68, $0x38;
	[tilespmem:$0xA200] =	vst v63  }
0x11: {  	s31 =	smul.u32 $0x1380, s12;
	s12 =	simm.s32 $0x9D00;
	s11 =	sadd.s32 s11, s13  }
0x12: {  	[tilespmem:s12], [sflag:$0x1] =	stream.linear.gather [hbm4b:s11+s3], $0x68, $0x38;
	[tilespmem:$0xA200] =	vst v63  }
0x13: {  	s14 =	sshll.u32 s14, $0x4;
	s13 =	sadd.s32 s16, s31  }
0x14: {  	[tilespmem:s3], [sflag:$0x2] =	stream.linear.gather [hbm4b:s13+s3], $0x3400, $0x38;
	[tilespmem:$0xA200] =	vst v63  }
0x15: {  	s17 =	sshll.u32 s15, $0x4;
	s15 =	simm.s32 $0x3400;
	s14 =	sadd.s32 s16, s14  }
0x16: {  	[tilespmem:s15], [sflag:$0x3] =	stream.linear.gather [hbm4b:s14+s3], $0x3400, $0x38;
	[tilespmem:$0xA200] =	vst v63  }
0x17: {  	s18 =	simm.s32 $0x6;
	s16 =	sadd.s32 s16, s17;
	s17 =	simm.s32 $0x6800  }
0x18: {  	[tilespmem:s17], [sflag:$0x4] =	stream.linear.gather [hbm4b:s16+s3], $0x3400, $0x38;
	[tilespmem:$0xA200] =	vst v63  }
0x19: {  	_ =	swait.ge [sflag:s18], $0x80  }
0x1a: {  	[sflag:s18] =	ssyncset.done $0x0  }
0x1b: {  	[sflag:s18] =	ssyncadd.s32 $0xFFFFFF80  }
0x1c: {  	s19 =	simm.s32 $0x1;
	[bflag:$0x0] =	sbarrier.arrive $0xFFFF  }
0x1d: {  	_ =	swait.ge [sflag:s19], $0x68  }
0x1e: {  	[sflag:s19] =	ssyncset.done $0x0  }
0x1f: {  	[sflag:s19] =	ssyncadd.s32 $0xFFFFFF98  }
0x20: {  	_ =	swait.ge [sflag:s19], $0x68  }
0x21: {  	[sflag:s19] =	ssyncset.done $0x0  }
0x22: {  	[sflag:s19] =	ssyncadd.s32 $0xFFFFFF98  }
0x23: {  	_ =	swait.ge [sflag:s19], $0x68  }
0x24: {  	[sflag:s19] =	ssyncset.done $0x0  }
0x25: {  	s20 =	simm.s32 $0x2;
	[sflag:s19] =	ssyncadd.s32 $0xFFFFFF98  }
0x26: {  	_ =	swait.ge [sflag:s20], $0x3400  }
0x27: {  	[sflag:s20] =	ssyncset.done $0x0  }
0x28: {  	s21 =	simm.s32 $0x68;
	s22 =	simm.s32 $0x3;
	[sflag:s20] =	ssyncadd.s32 $0xFFFFCC00  }
0x29: {  	[spmem:s2] =	stream.indirect.scatter.add.f32 [tilespmem:s3], [sflag:$0x5], $0x80, s8, s21, $0xb8;
	[tilespmem:$0xA200] =	vst v63  }
0x2a: {  	_ =	swait.ge [sflag:s22], $0x3400  }
0x2b: {  	[sflag:s22] =	ssyncset.done $0x0  }
0x2c: {  	s23 =	simm.s32 $0x4;
	[sflag:s22] =	ssyncadd.s32 $0xFFFFCC00  }
0x2d: {  	[spmem:s2] =	stream.indirect.scatter.add.f32 [tilespmem:s15], [sflag:$0x5], $0x80, s10, s21, $0xb8;
	[tilespmem:$0xA200] =	vst v63  }
0x2e: {  	_ =	swait.ge [sflag:s23], $0x3400  }
0x2f: {  	[sflag:s23] =	ssyncset.done $0x0  }
0x30: {  	s24 =	simm.s32 $0x5;
	[sflag:s23] =	ssyncadd.s32 $0xFFFFCC00  }
0x31: {  	[spmem:s2] =	stream.indirect.scatter.add.f32 [tilespmem:s17], [sflag:$0x5], $0x80, s12, s21, $0xb8;
	[tilespmem:$0xA200] =	vst v63  }
0x32: {  	_ =	swait.ge [sflag:s24], $0x3400  }
0x33: {  	[sflag:s24] =	ssyncset.done $0x0  }
0x34: {  	[sflag:s24] =	ssyncadd.s32 $0xFFFFCC00  }
0x35: {  	s29 =	ssub.s32 $0x2, s25;
	_ =	swait.ge [sflag:s24], $0x3400  }
0x36: {  	s30 =	sshrl.u32 s29, $0x1;
	[sflag:s24] =	ssyncset.done $0x0  }
0x37: {  	s29 =	ssub.s32 s29, s30;
	[sflag:s24] =	ssyncadd.s32 $0xFFFFCC00  }
0x38: {  	s25 =	sshll.u32 s25, $0xB;
	s29 =	smax.u32 s29, $0x1;
	_ =	swait.ge [sflag:s24], $0x3400  }
0x39: {  	s25 =	sadd.s32 s25, s26;
	p0 =	sne.s32 s29, $0x1;
	[sflag:s24] =	ssyncset.done $0x0  }
.Ltmp0:
0x3a: {  	s26 =	sor.u32 $0x1C07, s28;
	[sflag:s24] =	ssyncadd.s32 $0xFFFFCC00;
	(pc) =	sbr.rel @!p0 .LBB2_2-.Ltmp0, $4  }
0x3b: {  	s28 =	simm.s32 $0x7;
	s25 =	sadd.s32 $0x1600, s25;
	[bflag:$0x0] =	sbarrier.arrive $0xFFFF  }
0x3c: {  	[hbm:s25], [sflag:s26] =	dma.local [spmem:s7], $0x80  }
0x3d: {  	_ =	swait.ge [sflag:s28], $0x80  }
0x3e: {  	s29 =	sadd.s32 $0xFFFFFFFF, s29;
	[sflag:s28] =	ssyncset.done $0x0  }
.LBB2_1:
0x3f: {  	p0 =	sne.s32 s29, $0x1;
	s29 =	sadd.s32 $0xFFFFFFFF, s29;
	[sflag:s28] =	ssyncadd.s32 $0xFFFFFF80  }
0x40: {  	[spmem:s7], [sflag:s5] =	dma.local [hbm:s4], $0x80  }
0x41: {  	[tilespmem:s8], [sflag:$0x1] =	stream.linear.gather [hbm4b:s6+s3], $0x68, $0x38;
	[tilespmem:$0xA200] =	vst v63  }
0x42: {  	_ = 	snop  }
0x43: {  	[tilespmem:s10], [sflag:$0x1] =	stream.linear.gather [hbm4b:s9+s3], $0x68, $0x38;
	[tilespmem:$0xA200] =	vst v63  }
0x44: {  	_ = 	snop  }
0x45: {  	[tilespmem:s12], [sflag:$0x1] =	stream.linear.gather [hbm4b:s11+s3], $0x68, $0x38;
	[tilespmem:$0xA200] =	vst v63  }
0x46: {  	_ = 	snop  }
0x47: {  	[tilespmem:s3], [sflag:$0x2] =	stream.linear.gather [hbm4b:s13+s3], $0x3400, $0x38;
	[tilespmem:$0xA200] =	vst v63  }
0x48: {  	_ = 	snop  }
0x49: {  	[tilespmem:s15], [sflag:$0x3] =	stream.linear.gather [hbm4b:s14+s3], $0x3400, $0x38;
	[tilespmem:$0xA200] =	vst v63  }
0x4a: {  	_ = 	snop  }
0x4b: {  	[tilespmem:s17], [sflag:$0x4] =	stream.linear.gather [hbm4b:s16+s3], $0x3400, $0x38;
	[tilespmem:$0xA200] =	vst v63  }
0x4c: {  	_ =	swait.ge [sflag:s18], $0x80  }
0x4d: {  	[sflag:s18] =	ssyncset.done $0x0  }
0x4e: {  	[sflag:s18] =	ssyncadd.s32 $0xFFFFFF80  }
0x4f: {  	[bflag:$0x0] =	sbarrier.arrive $0xFFFF  }
0x50: {  	_ =	swait.ge [sflag:s19], $0x68  }
0x51: {  	[sflag:s19] =	ssyncset.done $0x0  }
0x52: {  	[sflag:s19] =	ssyncadd.s32 $0xFFFFFF98  }
0x53: {  	_ =	swait.ge [sflag:s19], $0x68  }
0x54: {  	[sflag:s19] =	ssyncset.done $0x0  }
0x55: {  	[sflag:s19] =	ssyncadd.s32 $0xFFFFFF98  }
0x56: {  	_ =	swait.ge [sflag:s19], $0x68  }
0x57: {  	[sflag:s19] =	ssyncset.done $0x0  }
0x58: {  	[sflag:s19] =	ssyncadd.s32 $0xFFFFFF98  }
0x59: {  	_ =	swait.ge [sflag:s20], $0x3400  }
0x5a: {  	[sflag:s20] =	ssyncset.done $0x0  }
0x5b: {  	[sflag:s20] =	ssyncadd.s32 $0xFFFFCC00  }
0x5c: {  	[spmem:s2] =	stream.indirect.scatter.add.f32 [tilespmem:s3], [sflag:$0x5], $0x80, s8, s21, $0xb8;
	[tilespmem:$0xA200] =	vst v63  }
0x5d: {  	_ =	swait.ge [sflag:s22], $0x3400  }
0x5e: {  	[sflag:s22] =	ssyncset.done $0x0  }
0x5f: {  	[sflag:s22] =	ssyncadd.s32 $0xFFFFCC00  }
0x60: {  	[spmem:s2] =	stream.indirect.scatter.add.f32 [tilespmem:s15], [sflag:$0x5], $0x80, s10, s21, $0xb8;
	[tilespmem:$0xA200] =	vst v63  }
0x61: {  	_ =	swait.ge [sflag:s23], $0x3400  }
0x62: {  	[sflag:s23] =	ssyncset.done $0x0  }
0x63: {  	[sflag:s23] =	ssyncadd.s32 $0xFFFFCC00  }
0x64: {  	[spmem:s2] =	stream.indirect.scatter.add.f32 [tilespmem:s17], [sflag:$0x5], $0x80, s12, s21, $0xb8;
	[tilespmem:$0xA200] =	vst v63  }
0x65: {  	_ =	swait.ge [sflag:s24], $0x3400  }
0x66: {  	[sflag:s24] =	ssyncset.done $0x0  }
0x67: {  	[sflag:s24] =	ssyncadd.s32 $0xFFFFCC00  }
0x68: {  	_ =	swait.ge [sflag:s24], $0x3400  }
0x69: {  	[sflag:s24] =	ssyncset.done $0x0  }
0x6a: {  	[sflag:s24] =	ssyncadd.s32 $0xFFFFCC00  }
0x6b: {  	_ =	swait.ge [sflag:s24], $0x3400  }
0x6c: {  	[sflag:s24] =	ssyncset.done $0x0  }
.Ltmp1:
0x6d: {  	[sflag:s24] =	ssyncadd.s32 $0xFFFFCC00;
	(pc) =	sbr.rel @p0 .LBB2_1-.Ltmp1, $4  }
0x6e: {  	[bflag:$0x0] =	sbarrier.arrive $0xFFFF  }
0x6f: {  	[hbm:s25], [sflag:s26] =	dma.local [spmem:s7], $0x80  }
0x70: {  	_ =	swait.ge [sflag:s28], $0x80  }
0x71: {  	[sflag:s28] =	ssyncset.done $0x0  }
.LBB2_2:
0x72: {  	[sflag:s28] =	ssyncadd.s32 $0xFFFFFF80  }
0x73: {  	_ =	sfence.sel $0x180000  }
0x74: {  	[bflag:$0x0] =	sbarrier.arrive $0xFFFF  }
0x75: {  	p0 =	sne.s32 s1, $0x0;
	_ =	strace $0x90000047  }
0x76: {  	s0 =	sadd.s32 @!p0 $0x100000, s0;
	[bflag:$0x2] =	sbarrier.arrive $0xFFFF  }
0x77: {  	[sflag:s0] =	ssyncadd.tile.s32 @!p0 $0x1;
	_ =	shalt  }
.Lfunc_end2:
_tile_overlayer_lowered:
.L_overlay_start_2:
0x78: {  	(tag) =	ssettag $0x2  }
0x79: {  	s0 =	rddreg [dreg:$0x0];
	s2 =	stileid.u32  }
0x7a: {  	s1 =	rddreg [dreg:$0x1];
	p0 =	sne.s32 s2, $0x0  }
0x7b: {  	s3 =	rddreg [dreg:$0x2];
	[bflag:$0x3] =	sbarrier.arrive $0xFFFF;
	s2 =	simm.s32 @!p0 $0x1C07  }
0x7c: {  	[timem:s3], [sflag:s2] =	dma.local @!p0 [hbm:s0], s1  }
0x7d: {  	s0 =	simm.s32 @!p0 $0x7  }
0x7e: {  	_ =	swait.ge @!p0 [sflag:s0], s1  }
0x7f: {  	s1 =	ssub.s32 @!p0 $0x0, s1;
	[sflag:s0] =	ssyncset.done @!p0 $0x0  }
0x80: {  	[sflag:s0] =	ssyncadd.s32 @!p0 s1  }
0x81: {  	[bflag:$0x3] =	sbarrier.arrive $0xFFFF  }
0x82: {  	_ =	shalt  }

</sc_bundles>
